<compile_context>
chip_gen: v7x
topology: tpu7x:2x2x1
jax: 0.10.2.dev20260603
libtpu: 0.0.44.dev20260713+nightly
codegen_flags: <defaults>
</compile_context>

<pallas_src>
import functools

import jax
import jax.numpy as jnp
from jax import lax
from jax.experimental import pallas as pl
from jax.experimental.pallas import tpu as pltpu
from jax.experimental.pallas import tpu_sc as plsc

N = 16384
TABLE = 1001
LANES = 16
NUM_CORES = 1
NUM_SUBCORES = 16
NUM_WORKERS = NUM_CORES * NUM_SUBCORES
CHUNK = N // NUM_WORKERS

_MAGIC = 8388608.0

_mesh = plsc.VectorSubcoreMesh(
    core_axis_name="c",
    subcore_axis_name="s",
    num_cores=NUM_CORES,
    num_subcores=NUM_SUBCORES,
)


HALF = CHUNK // 2


@functools.partial(
    pl.kernel,
    mesh=_mesh,
    out_type=jax.ShapeDtypeStruct((N,), jnp.float32),
    scratch_types=[
        pltpu.VMEM((TABLE,), jnp.float32),
        pltpu.VMEM((CHUNK,), jnp.float32),
        pltpu.VMEM((CHUNK,), jnp.float32),
        pltpu.SemaphoreType.DMA,
        pltpu.SemaphoreType.DMA,
        pltpu.SemaphoreType.DMA,
        pltpu.SemaphoreType.DMA,
    ],
    compiler_params=pltpu.CompilerParams(needs_layout_passes=False),
)
def _gamma_lookup(t_hbm, gamma_hbm, out_hbm, tab_v, t_v, o_v, sem_tab, sem_t0, sem_t1, sem_o):
    wid = lax.axis_index("s") * NUM_CORES + lax.axis_index("c")
    base = wid * CHUNK
    cp_tab = pltpu.async_copy(gamma_hbm, tab_v, sem_tab)
    cp_t0 = pltpu.async_copy(t_hbm.at[pl.ds(base, HALF)], t_v.at[pl.ds(0, HALF)], sem_t0)
    cp_t1 = pltpu.async_copy(
        t_hbm.at[pl.ds(base + HALF, HALF)], t_v.at[pl.ds(HALF, HALF)], sem_t1
    )
    cp_tab.wait()
    cp_t0.wait()

    def body(j, carry):
        tv = t_v[pl.ds(j * LANES, LANES)]
        idx = ((tv * 1000.0 + _MAGIC) - _MAGIC).astype(jnp.int32)
        o_v[pl.ds(j * LANES, LANES)] = plsc.load_gather(tab_v, [idx])
        return carry

    lax.fori_loop(0, HALF // LANES, body, 0, unroll=4)
    cp_o0 = pltpu.async_copy(
        o_v.at[pl.ds(0, HALF)], out_hbm.at[pl.ds(base, HALF)], sem_o
    )
    cp_t1.wait()
    lax.fori_loop(HALF // LANES, CHUNK // LANES, body, 0, unroll=4)
    cp_o1 = pltpu.async_copy(
        o_v.at[pl.ds(HALF, HALF)], out_hbm.at[pl.ds(base + HALF, HALF)], sem_o
    )
    cp_o0.wait()
    cp_o1.wait()


def kernel(t, gamma):
    out = _gamma_lookup(t.reshape(N), gamma)
    return out.reshape(N, 1)

# --- scband reference (transcript-rebuilt; emitter-appended) ---
"""Pipeline reference for scband-predefined-noise-schedule-52192442581783 (READ-ONLY COPY).

The authoritative reference and input builder live on the scoring server;
editing this copy changes nothing except your own understanding.
"""

import jax, jax.numpy as jnp
import numpy as np

TIMESTEPS = 1000
PRECISION = 1e-4
POWER = 2.0

def clip_noise_schedule(alphas2, clip_value=0.001):
    alphas2 = np.concatenate([np.ones(1), alphas2], axis=0)
    alphas_step = alphas2[1:] / alphas2[:-1]
    alphas_step = np.clip(alphas_step, a_min=clip_value, a_max=1.0)
    alphas2 = np.cumprod(alphas_step, axis=0)
    return alphas2

def polynomial_schedule(timesteps, s=1e-4, power=3.0):
    steps = timesteps + 1
    x = np.linspace(0, steps, steps)
    alphas2 = (1.0 - np.power(x / steps, power)) ** 2
    alphas2 = clip_noise_schedule(alphas2)
    precision = 1 - 2 * s
    alphas2 = precision * alphas2 + s
    return alphas2

def build_gamma():
    alphas2 = polynomial_schedule(TIMESTEPS, s=PRECISION, power=POWER)
    sigmas2 = 1.0 - alphas2
    log_alphas2 = np.log(alphas2)
    log_sigmas2 = np.log(sigmas2)
    log_alphas2_to_sigmas2 = log_alphas2 - log_sigmas2
    return jnp.asarray(-log_alphas2_to_sigmas2, dtype=jnp.float32)

def setup_inputs(seed: int = 0) -> dict:
    key = jax.random.key(seed)
    t = jax.random.uniform(key, (16384, 1), dtype=jnp.float32)
    gamma = build_gamma()
    return {"t": t, "gamma": gamma}

def reference(t, gamma):
    t_int = jnp.round(t * TIMESTEPS).astype(jnp.int32)
    return jnp.take(gamma, t_int, axis=0)

if __name__ == "__main__":
    import jax
    _d = setup_inputs()
    print(jax.jit(kernel)(*tuple(_d.values())))

</pallas_src>

<mosaic_0001>
#map = affine_map<(d0, d1) -> (0)>
module attributes {stable_mosaic.version = 14 : i64} {
  func.func @_gamma_lookup(%arg0: i32, %arg1: i32, %arg2: memref<16384xf32, #tpu.memory_space<hbm>>, %arg3: memref<1001xf32, #tpu.memory_space<hbm>>, %arg4: memref<16384xf32, #tpu.memory_space<hbm>>, %arg5: memref<1001xf32, #tpu.memory_space<vmem>>, %arg6: memref<1024xf32, #tpu.memory_space<vmem>>, %arg7: memref<1024xf32, #tpu.memory_space<vmem>>, %arg8: memref<!tpu.dma_semaphore, #tpu.memory_space<semaphore_mem>>, %arg9: memref<!tpu.dma_semaphore, #tpu.memory_space<semaphore_mem>>, %arg10: memref<!tpu.dma_semaphore, #tpu.memory_space<semaphore_mem>>, %arg11: memref<!tpu.dma_semaphore, #tpu.memory_space<semaphore_mem>>) attributes {dimension_semantics = [#tpu.dimension_semantics<core_parallel>, #tpu.dimension_semantics<subcore_parallel>], iteration_bounds = array<i64: 1, 16>, scalar_prefetch = 0 : i64, scratch_operands = 7 : i64, tpu.core_type = #tpu.core_type<sc_vector_subcore>, window_params = [{transform_indices = #map}, {transform_indices = #map}, {transform_indices = #map}]} {
    %mul3A = arith.constant 1 : i32
    %mul3A_0 = arith.muli %arg1, %mul3A : i32
    %add3A = arith.addi %mul3A_0, %arg0 : i32
    %mul3A_1 = arith.constant 1024 : i32
    %mul3A_2 = arith.muli %add3A, %mul3A_1 : i32
    tpu.enqueue_dma source(%arg3 : memref<1001xf32, #tpu.memory_space<hbm>>) target(%arg5 : memref<1001xf32, #tpu.memory_space<vmem>>) target_semaphore(%arg8 : memref<!tpu.dma_semaphore, #tpu.memory_space<semaphore_mem>>)
    %dma_start3A = arith.constant 0 : i32
    %dma_start3A_3 = tpu.memref_slice %arg6[%dma_start3A] : memref<1024xf32, #tpu.memory_space<vmem>> -> memref<512xf32, #tpu.memory_space<vmem>>
    %dma_start3A_4 = tpu.memref_slice %arg2[%mul3A_2] : memref<16384xf32, #tpu.memory_space<hbm>> -> memref<512xf32, #tpu.memory_space<hbm>>
    %dma_start3A_5 = arith.constant 0 : i32
    %dma_start3A_6 = tpu.memref_slice %arg6[%dma_start3A_5] : memref<1024xf32, #tpu.memory_space<vmem>> -> memref<512xf32, #tpu.memory_space<vmem>>
    %dma_start3A_7 = tpu.memref_slice %arg2[%mul3A_2] : memref<16384xf32, #tpu.memory_space<hbm>> -> memref<512xf32, #tpu.memory_space<hbm>>
    tpu.enqueue_dma source(%dma_start3A_7 : memref<512xf32, #tpu.memory_space<hbm>>) target(%dma_start3A_6 : memref<512xf32, #tpu.memory_space<vmem>>) target_semaphore(%arg9 : memref<!tpu.dma_semaphore, #tpu.memory_space<semaphore_mem>>)
    %add3A_8 = arith.constant 512 : i32
    %add3A_9 = arith.addi %mul3A_2, %add3A_8 : i32
    %dma_start3A_10 = arith.constant 512 : i32
    %dma_start3A_11 = tpu.memref_slice %arg6[%dma_start3A_10] : memref<1024xf32, #tpu.memory_space<vmem>> -> memref<512xf32, #tpu.memory_space<vmem>>
    %dma_start3A_12 = tpu.memref_slice %arg2[%add3A_9] : memref<16384xf32, #tpu.memory_space<hbm>> -> memref<512xf32, #tpu.memory_space<hbm>>
    %dma_start3A_13 = arith.constant 512 : i32
    %dma_start3A_14 = tpu.memref_slice %arg6[%dma_start3A_13] : memref<1024xf32, #tpu.memory_space<vmem>> -> memref<512xf32, #tpu.memory_space<vmem>>
    %dma_start3A_15 = tpu.memref_slice %arg2[%add3A_9] : memref<16384xf32, #tpu.memory_space<hbm>> -> memref<512xf32, #tpu.memory_space<hbm>>
    tpu.enqueue_dma source(%dma_start3A_15 : memref<512xf32, #tpu.memory_space<hbm>>) target(%dma_start3A_14 : memref<512xf32, #tpu.memory_space<vmem>>) target_semaphore(%arg10 : memref<!tpu.dma_semaphore, #tpu.memory_space<semaphore_mem>>)
    tpu.wait_dma2 semaphore(%arg8 : memref<!tpu.dma_semaphore, #tpu.memory_space<semaphore_mem>>) src(%arg3 : memref<1001xf32, #tpu.memory_space<hbm>>) dst(%arg5 : memref<1001xf32, #tpu.memory_space<vmem>>)
    %dma_wait3A = arith.constant 0 : i32
    %dma_wait3A_16 = tpu.memref_slice %arg6[%dma_wait3A] : memref<1024xf32, #tpu.memory_space<vmem>> -> memref<512xf32, #tpu.memory_space<vmem>>
    %dma_wait3A_17 = tpu.memref_slice %arg2[%mul3A_2] : memref<16384xf32, #tpu.memory_space<hbm>> -> memref<512xf32, #tpu.memory_space<hbm>>
    %dma_wait3A_18 = arith.constant 0 : i32
    %dma_wait3A_19 = tpu.memref_slice %arg6[%dma_wait3A_18] : memref<1024xf32, #tpu.memory_space<vmem>> -> memref<512xf32, #tpu.memory_space<vmem>>
    %dma_wait3A_20 = tpu.memref_slice %arg2[%mul3A_2] : memref<16384xf32, #tpu.memory_space<hbm>> -> memref<512xf32, #tpu.memory_space<hbm>>
    tpu.wait_dma2 semaphore(%arg9 : memref<!tpu.dma_semaphore, #tpu.memory_space<semaphore_mem>>) src(%dma_wait3A_20 : memref<512xf32, #tpu.memory_space<hbm>>) dst(%dma_wait3A_19 : memref<512xf32, #tpu.memory_space<vmem>>)
    %scan3A = arith.constant 0 : i32
    %scan3A_21 = arith.constant 0 : i32
    %scan3A_22 = arith.constant 32 : i32
    %scan3A_23 = arith.addi %scan3A_21, %scan3A_22 : i32
    %scan3A_24 = arith.constant 4 : i32
    scf.for %scan3A_64 = %scan3A_21 to %scan3A_23 step %scan3A_24  : i32 {
      %mul3A_65 = arith.constant 16 : i32
      %mul3A_66 = arith.muli %scan3A_64, %mul3A_65 : i32
      %get3A = arith.index_cast %mul3A_66 : i32 to index
      %get3A_67 = tpu.vector_load %arg6[%get3A] {strides = array<i32>} : memref<1024xf32, #tpu.memory_space<vmem>>, vector<16xf32>,
      %mul3A_68 = arith.constant 1.000000e+03 : f32
      %mul3A_69 = vector.broadcast %mul3A_68 : f32 to vector<16xf32>
      %mul3A_70 = arith.mulf %get3A_67, %mul3A_69 : vector<16xf32>
      %add3A_71 = arith.constant 0x4B000000 : f32
      %add3A_72 = vector.broadcast %add3A_71 : f32 to vector<16xf32>
      %add3A_73 = arith.addf %mul3A_70, %add3A_72 : vector<16xf32>
      %sub3A = arith.constant 0x4B000000 : f32
      %sub3A_74 = vector.broadcast %sub3A : f32 to vector<16xf32>
      %sub3A_75 = arith.subf %add3A_73, %sub3A_74 : vector<16xf32>
      %convert_element_type3A = arith.fptosi %sub3A_75 : vector<16xf32> to vector<16xi32>
      %gather3A = tpu.vector_load_idx %arg5[%convert_element_type3A] : memref<1001xf32, #tpu.memory_space<vmem>>[vector<16xi32>], vector<16xf32>,
      %mul3A_76 = arith.constant 16 : i32
      %mul3A_77 = arith.muli %scan3A_64, %mul3A_76 : i32
      %swap3A = arith.index_cast %mul3A_77 : i32 to index
      %swap3A_78 = tpu.vector_load %arg7[%swap3A] {strides = array<i32>} : memref<1024xf32, #tpu.memory_space<vmem>>, vector<16xf32>,
      tpu.vector_store %arg7[%swap3A], %gather3A {strides = array<i32>} : memref<1024xf32, #tpu.memory_space<vmem>>, vector<16xf32>,
      %scan3A_79 = arith.constant 1 : i32
      %scan3A_80 = arith.addi %scan3A_64, %scan3A_79 : i32
      %mul3A_81 = arith.constant 16 : i32
      %mul3A_82 = arith.muli %scan3A_80, %mul3A_81 : i32
      %get3A_83 = arith.index_cast %mul3A_82 : i32 to index
      %get3A_84 = tpu.vector_load %arg6[%get3A_83] {strides = array<i32>} : memref<1024xf32, #tpu.memory_space<vmem>>, vector<16xf32>,
      %mul3A_85 = arith.constant 1.000000e+03 : f32
      %mul3A_86 = vector.broadcast %mul3A_85 : f32 to vector<16xf32>
      %mul3A_87 = arith.mulf %get3A_84, %mul3A_86 : vector<16xf32>
      %add3A_88 = arith.constant 0x4B000000 : f32
      %add3A_89 = vector.broadcast %add3A_88 : f32 to vector<16xf32>
      %add3A_90 = arith.addf %mul3A_87, %add3A_89 : vector<16xf32>
      %sub3A_91 = arith.constant 0x4B000000 : f32
      %sub3A_92 = vector.broadcast %sub3A_91 : f32 to vector<16xf32>
      %sub3A_93 = arith.subf %add3A_90, %sub3A_92 : vector<16xf32>
      %convert_element_type3A_94 = arith.fptosi %sub3A_93 : vector<16xf32> to vector<16xi32>
      %gather3A_95 = tpu.vector_load_idx %arg5[%convert_element_type3A_94] : memref<1001xf32, #tpu.memory_space<vmem>>[vector<16xi32>], vector<16xf32>,
      %mul3A_96 = arith.constant 16 : i32
      %mul3A_97 = arith.muli %scan3A_80, %mul3A_96 : i32
      %swap3A_98 = arith.index_cast %mul3A_97 : i32 to index
      %swap3A_99 = tpu.vector_load %arg7[%swap3A_98] {strides = array<i32>} : memref<1024xf32, #tpu.memory_space<vmem>>, vector<16xf32>,
      tpu.vector_store %arg7[%swap3A_98], %gather3A_95 {strides = array<i32>} : memref<1024xf32, #tpu.memory_space<vmem>>, vector<16xf32>,
      %scan3A_100 = arith.constant 2 : i32
      %scan3A_101 = arith.addi %scan3A_64, %scan3A_100 : i32
      %mul3A_102 = arith.constant 16 : i32
      %mul3A_103 = arith.muli %scan3A_101, %mul3A_102 : i32
      %get3A_104 = arith.index_cast %mul3A_103 : i32 to index
      %get3A_105 = tpu.vector_load %arg6[%get3A_104] {strides = array<i32>} : memref<1024xf32, #tpu.memory_space<vmem>>, vector<16xf32>,
      %mul3A_106 = arith.constant 1.000000e+03 : f32
      %mul3A_107 = vector.broadcast %mul3A_106 : f32 to vector<16xf32>
      %mul3A_108 = arith.mulf %get3A_105, %mul3A_107 : vector<16xf32>
      %add3A_109 = arith.constant 0x4B000000 : f32
      %add3A_110 = vector.broadcast %add3A_109 : f32 to vector<16xf32>
      %add3A_111 = arith.addf %mul3A_108, %add3A_110 : vector<16xf32>
      %sub3A_112 = arith.constant 0x4B000000 : f32
      %sub3A_113 = vector.broadcast %sub3A_112 : f32 to vector<16xf32>
      %sub3A_114 = arith.subf %add3A_111, %sub3A_113 : vector<16xf32>
      %convert_element_type3A_115 = arith.fptosi %sub3A_114 : vector<16xf32> to vector<16xi32>
      %gather3A_116 = tpu.vector_load_idx %arg5[%convert_element_type3A_115] : memref<1001xf32, #tpu.memory_space<vmem>>[vector<16xi32>], vector<16xf32>,
      %mul3A_117 = arith.constant 16 : i32
      %mul3A_118 = arith.muli %scan3A_101, %mul3A_117 : i32
      %swap3A_119 = arith.index_cast %mul3A_118 : i32 to index
      %swap3A_120 = tpu.vector_load %arg7[%swap3A_119] {strides = array<i32>} : memref<1024xf32, #tpu.memory_space<vmem>>, vector<16xf32>,
      tpu.vector_store %arg7[%swap3A_119], %gather3A_116 {strides = array<i32>} : memref<1024xf32, #tpu.memory_space<vmem>>, vector<16xf32>,
      %scan3A_121 = arith.constant 3 : i32
      %scan3A_122 = arith.addi %scan3A_64, %scan3A_121 : i32
      %mul3A_123 = arith.constant 16 : i32
      %mul3A_124 = arith.muli %scan3A_122, %mul3A_123 : i32
      %get3A_125 = arith.index_cast %mul3A_124 : i32 to index
      %get3A_126 = tpu.vector_load %arg6[%get3A_125] {strides = array<i32>} : memref<1024xf32, #tpu.memory_space<vmem>>, vector<16xf32>,
      %mul3A_127 = arith.constant 1.000000e+03 : f32
      %mul3A_128 = vector.broadcast %mul3A_127 : f32 to vector<16xf32>
      %mul3A_129 = arith.mulf %get3A_126, %mul3A_128 : vector<16xf32>
      %add3A_130 = arith.constant 0x4B000000 : f32
      %add3A_131 = vector.broadcast %add3A_130 : f32 to vector<16xf32>
      %add3A_132 = arith.addf %mul3A_129, %add3A_131 : vector<16xf32>
      %sub3A_133 = arith.constant 0x4B000000 : f32
      %sub3A_134 = vector.broadcast %sub3A_133 : f32 to vector<16xf32>
      %sub3A_135 = arith.subf %add3A_132, %sub3A_134 : vector<16xf32>
      %convert_element_type3A_136 = arith.fptosi %sub3A_135 : vector<16xf32> to vector<16xi32>
      %gather3A_137 = tpu.vector_load_idx %arg5[%convert_element_type3A_136] : memref<1001xf32, #tpu.memory_space<vmem>>[vector<16xi32>], vector<16xf32>,
      %mul3A_138 = arith.constant 16 : i32
      %mul3A_139 = arith.muli %scan3A_122, %mul3A_138 : i32
      %swap3A_140 = arith.index_cast %mul3A_139 : i32 to index
      %swap3A_141 = tpu.vector_load %arg7[%swap3A_140] {strides = array<i32>} : memref<1024xf32, #tpu.memory_space<vmem>>, vector<16xf32>,
      tpu.vector_store %arg7[%swap3A_140], %gather3A_137 {strides = array<i32>} : memref<1024xf32, #tpu.memory_space<vmem>>, vector<16xf32>,
    }
    %scan3A_25 = arith.constant 32 : i32
    %dma_start3A_26 = arith.constant 0 : i32
    %dma_start3A_27 = tpu.memref_slice %arg7[%dma_start3A_26] : memref<1024xf32, #tpu.memory_space<vmem>> -> memref<512xf32, #tpu.memory_space<vmem>>
    %dma_start3A_28 = tpu.memref_slice %arg4[%mul3A_2] : memref<16384xf32, #tpu.memory_space<hbm>> -> memref<512xf32, #tpu.memory_space<hbm>>
    %dma_start3A_29 = tpu.memref_slice %arg4[%mul3A_2] : memref<16384xf32, #tpu.memory_space<hbm>> -> memref<512xf32, #tpu.memory_space<hbm>>
    %dma_start3A_30 = arith.constant 0 : i32
    %dma_start3A_31 = tpu.memref_slice %arg7[%dma_start3A_30] : memref<1024xf32, #tpu.memory_space<vmem>> -> memref<512xf32, #tpu.memory_space<vmem>>
    tpu.enqueue_dma source(%dma_start3A_31 : memref<512xf32, #tpu.memory_space<vmem>>) target(%dma_start3A_29 : memref<512xf32, #tpu.memory_space<hbm>>) target_semaphore(%arg11 : memref<!tpu.dma_semaphore, #tpu.memory_space<semaphore_mem>>)
    %dma_wait3A_32 = arith.constant 512 : i32
    %dma_wait3A_33 = tpu.memref_slice %arg6[%dma_wait3A_32] : memref<1024xf32, #tpu.memory_space<vmem>> -> memref<512xf32, #tpu.memory_space<vmem>>
    %dma_wait3A_34 = tpu.memref_slice %arg2[%add3A_9] : memref<16384xf32, #tpu.memory_space<hbm>> -> memref<512xf32, #tpu.memory_space<hbm>>
    %dma_wait3A_35 = arith.constant 512 : i32
    %dma_wait3A_36 = tpu.memref_slice %arg6[%dma_wait3A_35] : memref<1024xf32, #tpu.memory_space<vmem>> -> memref<512xf32, #tpu.memory_space<vmem>>
    %dma_wait3A_37 = tpu.memref_slice %arg2[%add3A_9] : memref<16384xf32, #tpu.memory_space<hbm>> -> memref<512xf32, #tpu.memory_space<hbm>>
    tpu.wait_dma2 semaphore(%arg10 : memref<!tpu.dma_semaphore, #tpu.memory_space<semaphore_mem>>) src(%dma_wait3A_37 : memref<512xf32, #tpu.memory_space<hbm>>) dst(%dma_wait3A_36 : memref<512xf32, #tpu.memory_space<vmem>>)
    %scan3A_38 = arith.constant 0 : i32
    %scan3A_39 = arith.constant 32 : i32
    %scan3A_40 = arith.constant 32 : i32
    %scan3A_41 = arith.addi %scan3A_39, %scan3A_40 : i32
    %scan3A_42 = arith.constant 4 : i32
    scf.for %scan3A_64 = %scan3A_39 to %scan3A_41 step %scan3A_42  : i32 {
      %mul3A_65 = arith.constant 16 : i32
      %mul3A_66 = arith.muli %scan3A_64, %mul3A_65 : i32
      %get3A = arith.index_cast %mul3A_66 : i32 to index
      %get3A_67 = tpu.vector_load %arg6[%get3A] {strides = array<i32>} : memref<1024xf32, #tpu.memory_space<vmem>>, vector<16xf32>,
      %mul3A_68 = arith.constant 1.000000e+03 : f32
      %mul3A_69 = vector.broadcast %mul3A_68 : f32 to vector<16xf32>
      %mul3A_70 = arith.mulf %get3A_67, %mul3A_69 : vector<16xf32>
      %add3A_71 = arith.constant 0x4B000000 : f32
      %add3A_72 = vector.broadcast %add3A_71 : f32 to vector<16xf32>
      %add3A_73 = arith.addf %mul3A_70, %add3A_72 : vector<16xf32>
      %sub3A = arith.constant 0x4B000000 : f32
      %sub3A_74 = vector.broadcast %sub3A : f32 to vector<16xf32>
      %sub3A_75 = arith.subf %add3A_73, %sub3A_74 : vector<16xf32>
      %convert_element_type3A = arith.fptosi %sub3A_75 : vector<16xf32> to vector<16xi32>
      %gather3A = tpu.vector_load_idx %arg5[%convert_element_type3A] : memref<1001xf32, #tpu.memory_space<vmem>>[vector<16xi32>], vector<16xf32>,
      %mul3A_76 = arith.constant 16 : i32
      %mul3A_77 = arith.muli %scan3A_64, %mul3A_76 : i32
      %swap3A = arith.index_cast %mul3A_77 : i32 to index
      %swap3A_78 = tpu.vector_load %arg7[%swap3A] {strides = array<i32>} : memref<1024xf32, #tpu.memory_space<vmem>>, vector<16xf32>,
      tpu.vector_store %arg7[%swap3A], %gather3A {strides = array<i32>} : memref<1024xf32, #tpu.memory_space<vmem>>, vector<16xf32>,
      %scan3A_79 = arith.constant 1 : i32
      %scan3A_80 = arith.addi %scan3A_64, %scan3A_79 : i32
      %mul3A_81 = arith.constant 16 : i32
      %mul3A_82 = arith.muli %scan3A_80, %mul3A_81 : i32
      %get3A_83 = arith.index_cast %mul3A_82 : i32 to index
      %get3A_84 = tpu.vector_load %arg6[%get3A_83] {strides = array<i32>} : memref<1024xf32, #tpu.memory_space<vmem>>, vector<16xf32>,
      %mul3A_85 = arith.constant 1.000000e+03 : f32
      %mul3A_86 = vector.broadcast %mul3A_85 : f32 to vector<16xf32>
      %mul3A_87 = arith.mulf %get3A_84, %mul3A_86 : vector<16xf32>
      %add3A_88 = arith.constant 0x4B000000 : f32
      %add3A_89 = vector.broadcast %add3A_88 : f32 to vector<16xf32>
      %add3A_90 = arith.addf %mul3A_87, %add3A_89 : vector<16xf32>
      %sub3A_91 = arith.constant 0x4B000000 : f32
      %sub3A_92 = vector.broadcast %sub3A_91 : f32 to vector<16xf32>
      %sub3A_93 = arith.subf %add3A_90, %sub3A_92 : vector<16xf32>
      %convert_element_type3A_94 = arith.fptosi %sub3A_93 : vector<16xf32> to vector<16xi32>
      %gather3A_95 = tpu.vector_load_idx %arg5[%convert_element_type3A_94] : memref<1001xf32, #tpu.memory_space<vmem>>[vector<16xi32>], vector<16xf32>,
      %mul3A_96 = arith.constant 16 : i32
      %mul3A_97 = arith.muli %scan3A_80, %mul3A_96 : i32
      %swap3A_98 = arith.index_cast %mul3A_97 : i32 to index
      %swap3A_99 = tpu.vector_load %arg7[%swap3A_98] {strides = array<i32>} : memref<1024xf32, #tpu.memory_space<vmem>>, vector<16xf32>,
      tpu.vector_store %arg7[%swap3A_98], %gather3A_95 {strides = array<i32>} : memref<1024xf32, #tpu.memory_space<vmem>>, vector<16xf32>,
      %scan3A_100 = arith.constant 2 : i32
      %scan3A_101 = arith.addi %scan3A_64, %scan3A_100 : i32
      %mul3A_102 = arith.constant 16 : i32
      %mul3A_103 = arith.muli %scan3A_101, %mul3A_102 : i32
      %get3A_104 = arith.index_cast %mul3A_103 : i32 to index
      %get3A_105 = tpu.vector_load %arg6[%get3A_104] {strides = array<i32>} : memref<1024xf32, #tpu.memory_space<vmem>>, vector<16xf32>,
      %mul3A_106 = arith.constant 1.000000e+03 : f32
      %mul3A_107 = vector.broadcast %mul3A_106 : f32 to vector<16xf32>
      %mul3A_108 = arith.mulf %get3A_105, %mul3A_107 : vector<16xf32>
      %add3A_109 = arith.constant 0x4B000000 : f32
      %add3A_110 = vector.broadcast %add3A_109 : f32 to vector<16xf32>
      %add3A_111 = arith.addf %mul3A_108, %add3A_110 : vector<16xf32>
      %sub3A_112 = arith.constant 0x4B000000 : f32
      %sub3A_113 = vector.broadcast %sub3A_112 : f32 to vector<16xf32>
      %sub3A_114 = arith.subf %add3A_111, %sub3A_113 : vector<16xf32>
      %convert_element_type3A_115 = arith.fptosi %sub3A_114 : vector<16xf32> to vector<16xi32>
      %gather3A_116 = tpu.vector_load_idx %arg5[%convert_element_type3A_115] : memref<1001xf32, #tpu.memory_space<vmem>>[vector<16xi32>], vector<16xf32>,
      %mul3A_117 = arith.constant 16 : i32
      %mul3A_118 = arith.muli %scan3A_101, %mul3A_117 : i32
      %swap3A_119 = arith.index_cast %mul3A_118 : i32 to index
      %swap3A_120 = tpu.vector_load %arg7[%swap3A_119] {strides = array<i32>} : memref<1024xf32, #tpu.memory_space<vmem>>, vector<16xf32>,
      tpu.vector_store %arg7[%swap3A_119], %gather3A_116 {strides = array<i32>} : memref<1024xf32, #tpu.memory_space<vmem>>, vector<16xf32>,
      %scan3A_121 = arith.constant 3 : i32
      %scan3A_122 = arith.addi %scan3A_64, %scan3A_121 : i32
      %mul3A_123 = arith.constant 16 : i32
      %mul3A_124 = arith.muli %scan3A_122, %mul3A_123 : i32
      %get3A_125 = arith.index_cast %mul3A_124 : i32 to index
      %get3A_126 = tpu.vector_load %arg6[%get3A_125] {strides = array<i32>} : memref<1024xf32, #tpu.memory_space<vmem>>, vector<16xf32>,
      %mul3A_127 = arith.constant 1.000000e+03 : f32
      %mul3A_128 = vector.broadcast %mul3A_127 : f32 to vector<16xf32>
      %mul3A_129 = arith.mulf %get3A_126, %mul3A_128 : vector<16xf32>
      %add3A_130 = arith.constant 0x4B000000 : f32
      %add3A_131 = vector.broadcast %add3A_130 : f32 to vector<16xf32>
      %add3A_132 = arith.addf %mul3A_129, %add3A_131 : vector<16xf32>
      %sub3A_133 = arith.constant 0x4B000000 : f32
      %sub3A_134 = vector.broadcast %sub3A_133 : f32 to vector<16xf32>
      %sub3A_135 = arith.subf %add3A_132, %sub3A_134 : vector<16xf32>
      %convert_element_type3A_136 = arith.fptosi %sub3A_135 : vector<16xf32> to vector<16xi32>
      %gather3A_137 = tpu.vector_load_idx %arg5[%convert_element_type3A_136] : memref<1001xf32, #tpu.memory_space<vmem>>[vector<16xi32>], vector<16xf32>,
      %mul3A_138 = arith.constant 16 : i32
      %mul3A_139 = arith.muli %scan3A_122, %mul3A_138 : i32
      %swap3A_140 = arith.index_cast %mul3A_139 : i32 to index
      %swap3A_141 = tpu.vector_load %arg7[%swap3A_140] {strides = array<i32>} : memref<1024xf32, #tpu.memory_space<vmem>>, vector<16xf32>,
      tpu.vector_store %arg7[%swap3A_140], %gather3A_137 {strides = array<i32>} : memref<1024xf32, #tpu.memory_space<vmem>>, vector<16xf32>,
    }
    %scan3A_43 = arith.constant 32 : i32
    %add3A_44 = arith.constant 512 : i32
    %add3A_45 = arith.addi %mul3A_2, %add3A_44 : i32
    %dma_start3A_46 = arith.constant 512 : i32
    %dma_start3A_47 = tpu.memref_slice %arg7[%dma_start3A_46] : memref<1024xf32, #tpu.memory_space<vmem>> -> memref<512xf32, #tpu.memory_space<vmem>>
    %dma_start3A_48 = tpu.memref_slice %arg4[%add3A_45] : memref<16384xf32, #tpu.memory_space<hbm>> -> memref<512xf32, #tpu.memory_space<hbm>>
    %dma_start3A_49 = tpu.memref_slice %arg4[%add3A_45] : memref<16384xf32, #tpu.memory_space<hbm>> -> memref<512xf32, #tpu.memory_space<hbm>>
    %dma_start3A_50 = arith.constant 512 : i32
    %dma_start3A_51 = tpu.memref_slice %arg7[%dma_start3A_50] : memref<1024xf32, #tpu.memory_space<vmem>> -> memref<512xf32, #tpu.memory_space<vmem>>
    tpu.enqueue_dma source(%dma_start3A_51 : memref<512xf32, #tpu.memory_space<vmem>>) target(%dma_start3A_49 : memref<512xf32, #tpu.memory_space<hbm>>) target_semaphore(%arg11 : memref<!tpu.dma_semaphore, #tpu.memory_space<semaphore_mem>>)
    %dma_wait3A_52 = arith.constant 0 : i32
    %dma_wait3A_53 = tpu.memref_slice %arg7[%dma_wait3A_52] : memref<1024xf32, #tpu.memory_space<vmem>> -> memref<512xf32, #tpu.memory_space<vmem>>
    %dma_wait3A_54 = tpu.memref_slice %arg4[%mul3A_2] : memref<16384xf32, #tpu.memory_space<hbm>> -> memref<512xf32, #tpu.memory_space<hbm>>
    %dma_wait3A_55 = tpu.memref_slice %arg4[%mul3A_2] : memref<16384xf32, #tpu.memory_space<hbm>> -> memref<512xf32, #tpu.memory_space<hbm>>
    %dma_wait3A_56 = arith.constant 0 : i32
    %dma_wait3A_57 = tpu.memref_slice %arg7[%dma_wait3A_56] : memref<1024xf32, #tpu.memory_space<vmem>> -> memref<512xf32, #tpu.memory_space<vmem>>
    tpu.wait_dma2 semaphore(%arg11 : memref<!tpu.dma_semaphore, #tpu.memory_space<semaphore_mem>>) src(%dma_wait3A_57 : memref<512xf32, #tpu.memory_space<vmem>>) dst(%dma_wait3A_55 : memref<512xf32, #tpu.memory_space<hbm>>)
    %dma_wait3A_58 = arith.constant 512 : i32
    %dma_wait3A_59 = tpu.memref_slice %arg7[%dma_wait3A_58] : memref<1024xf32, #tpu.memory_space<vmem>> -> memref<512xf32, #tpu.memory_space<vmem>>
    %dma_wait3A_60 = tpu.memref_slice %arg4[%add3A_45] : memref<16384xf32, #tpu.memory_space<hbm>> -> memref<512xf32, #tpu.memory_space<hbm>>
    %dma_wait3A_61 = tpu.memref_slice %arg4[%add3A_45] : memref<16384xf32, #tpu.memory_space<hbm>> -> memref<512xf32, #tpu.memory_space<hbm>>
    %dma_wait3A_62 = arith.constant 512 : i32
    %dma_wait3A_63 = tpu.memref_slice %arg7[%dma_wait3A_62] : memref<1024xf32, #tpu.memory_space<vmem>> -> memref<512xf32, #tpu.memory_space<vmem>>
    tpu.wait_dma2 semaphore(%arg11 : memref<!tpu.dma_semaphore, #tpu.memory_space<semaphore_mem>>) src(%dma_wait3A_63 : memref<512xf32, #tpu.memory_space<vmem>>) dst(%dma_wait3A_61 : memref<512xf32, #tpu.memory_space<hbm>>)
    return
  }
}

</mosaic_0001>

<sc_bundles>
// kernel: kernel.3.cloned.1.call-start
scs
__scs_entry_jumppad:
0x0: {  	(pc) =	sbr.rel $0x88, $3  }
0x1: {  	(tag) =	ssettag $0x0;
	lr =	simm.s32 $0x1  }
0x2: {  	[smem:$0x3F9F] =	sst lr;
	_ =	strace $0xD0000000  }
0x3: {  	_ = 	snop  }
0x4: {  	_ = 	snop  }
0x5: {  	_ = 	snop  }
0x6: {  	_ = 	snop  }
0x7: {  	_ = 	snop  }
__scs_overlays_trampoline_lowered:
0x8: {  	[smem:$0x3FAE] =	sst s0  }
0x9: {  	[smem:$0x3FAF] =	sst s1  }
0xa: {  	[smem:$0x3FB0] =	sst s2  }
0xb: {  	[smem:$0x3FB1] =	sst s3  }
0xc: {  	[smem:$0x3FB2] =	sst s4  }
0xd: {  	[smem:$0x3FB3] =	sst s5  }
0xe: {  	[smem:$0x3FB4] =	sst s6  }
0xf: {  	[smem:$0x3FB5] =	sst s7  }
0x10: {  	[smem:$0x3FB6] =	sst s8  }
0x11: {  	[smem:$0x3FB7] =	sst s9;
	s0 =	simm.s32 @!p0 $0x0  }
0x12: {  	s1 =	sld [smem:$0x3F9D];
	s0 =	simm.s32 @p0 $0x1  }
0x13: {  	[smem:$0x3FB8] =	sst s0;
	s0 =	simm.s32 @!p1 $0x0  }
0x14: {  	s2 =	sld [smem:$0x3F9C];
	s0 =	simm.s32 @p1 $0x1  }
0x15: {  	[smem:$0x3FB9] =	sst s0;
	s0 =	simm.s32 @!p2 $0x0  }
0x16: {  	s3 =	sld [smem:$0x3FDB];
	s0 =	simm.s32 @p2 $0x1  }
0x17: {  	s4 =	simm.s32 $0x1BF5;
	[smem:$0x3FBB] =	sst s0  }
0x18: {  	s0 =	sld [smem:$0x3F9E];
	_ =	swait.ge [sflag:s4], $0x0  }
0x19: {  	s7 =	sld [smem:$0x3F9F]  }
0x1a: {  	s8 =	sadd.s32 $0xFFFFE003, lr  }
0x1b: {  	s9 =	sadd.s32 $0xFFFFFEF7, lr;
	s5 =	simm.s32 $0xFFFFFFFF;
	p2 =	slt.u32 s8, $0xFFFFF086  }
0x1c: {  	p1 =	slt.u32 s9, $0xF7A;
	s5 =	simm.s32 @!p2 $0x0  }
0x1d: {  	s5 =	simm.s32 @p1 $0x1;
	p0 =	seq.s32 s7, s2  }
0x1e: {  	s7 =	smul.u32 @!p0 $0xF7A, s2;
	p2 =	seq.s32 @!p0 s5, $0x0  }
0x1f: {  	s9 =	smul.u32 $0xF7A, s1;
	s8 =	simm.s32 @!p0 $0x1BF5;
	p2 =	por !p2, p0  }
0x20: {  	[sflag:s8] =	ssyncset.s32 @!p0 $0xFFFFF086;
	s6 =	sadd.s32 @!p0 s3, s7;
	s7 =	simm.s32 @!p0 $0x108  }
0x21: {  	s3 =	sadd.s32 s3, s9;
	s6 =	sadd.s32 @!p0 $0x88, s6;
	s7 =	simm.s32 @p2 $0x1082  }
0x22: {  	[simem:s7], [sflag:s8] =	dma.local @!p0 [hbm:s6], $0xF7A  }
0x23: {  	s9 =	sor.u32 $0xD0000000, s2;
	s6 =	simm.s32 $0x108;
	_ =	swait.ge @!p0 [sflag:s8], $0x0  }
0x24: {  	s3 =	sadd.s32 $0x88, s3;
	s6 =	simm.s32 @!p1 $0x1082;
	[sflag:s4] =	ssyncset.s32 $0xFFFFF086  }
0x25: {  	[simem:s6], [sflag:s4] =	dma.local [hbm:s3], $0xF7A  }
0x26: {  	[smem:$0x3F9F] =	sst s1;
	(tag) =	ssettag s2;
	_ =	strace s9  }
0x27: {  	s1 =	sld [smem:$0x3FAF]  }
0x28: {  	s2 =	sld [smem:$0x3FB0]  }
0x29: {  	s4 =	sld [smem:$0x3FB2]  }
0x2a: {  	p0 =	seq.s32 s5, $0x0;
	s5 =	sld [smem:$0x3FB3]  }
0x2b: {  	s6 =	sld [smem:$0x3FB4]  }
0x2c: {  	s7 =	sld [smem:$0x3FB5]  }
0x2d: {  	s3 =	simm.s32 $0x108;
	s8 =	sld [smem:$0x3FB6]  }
0x2e: {  	s3 =	simm.s32 @!p0 $0x1082;
	s9 =	sld [smem:$0x3FB7]  }
0x2f: {  	lr =	sadd.s32 s0, s3;
	s0 =	sld [smem:$0x3FAE]  }
0x30: {  	s3 =	sld [smem:$0x3FB1]  }
0x31: {  	[smem:$0x3FBA] =	sst s10  }
0x32: {  	s10 =	sld [smem:$0x3FB8];
	_ =	sdelay $0x3  }
0x33: {  	p0 =	seq.s32 s10, $0x1;
	s10 =	sld [smem:$0x3FBA];
	_ =	sdelay $0x3  }
0x34: {  	[smem:$0x3FBA] =	sst s10  }
0x35: {  	s10 =	sld [smem:$0x3FB9];
	_ =	sdelay $0x3  }
0x36: {  	p1 =	seq.s32 s10, $0x1;
	s10 =	sld [smem:$0x3FBA];
	_ =	sdelay $0x3  }
0x37: {  	[smem:$0x3FBA] =	sst s10  }
0x38: {  	s10 =	sld [smem:$0x3FBB]  }
0x39: {  	_ = 	snop;
	(pc) =	sbr.ind lr, $3  }
0x3a: {  	_ = 	snop  }
0x3b: {  	_ = 	snop  }
0x3c: {  	p2 =	seq.s32 s10, $0x1;
	s10 =	sld [smem:$0x3FBA]  }
0x3d: {  	_ =	shalt  }
0x3e: {  	_ =	shalt  }
0x3f: {  	_ =	shalt  }
0x40: {  	_ =	shalt  }
0x41: {  	_ =	shalt  }
0x42: {  	_ =	shalt  }
0x43: {  	_ =	shalt  }
0x44: {  	_ =	shalt  }
0x45: {  	_ =	shalt  }
0x46: {  	_ =	shalt  }
0x47: {  	_ =	shalt  }
0x48: {  	_ =	shalt  }
0x49: {  	_ =	shalt  }
0x4a: {  	_ =	shalt  }
0x4b: {  	_ =	shalt  }
0x4c: {  	_ =	shalt  }
0x4d: {  	_ =	shalt  }
0x4e: {  	_ =	shalt  }
0x4f: {  	_ =	shalt  }
0x50: {  	_ =	shalt  }
0x51: {  	_ =	shalt  }
0x52: {  	_ =	shalt  }
0x53: {  	_ =	shalt  }
0x54: {  	_ =	shalt  }
0x55: {  	_ =	shalt  }
0x56: {  	_ =	shalt  }
0x57: {  	_ =	shalt  }
0x58: {  	_ =	shalt  }
0x59: {  	_ =	shalt  }
0x5a: {  	_ =	shalt  }
0x5b: {  	_ =	shalt  }
0x5c: {  	_ =	shalt  }
0x5d: {  	_ =	shalt  }
0x5e: {  	_ =	shalt  }
0x5f: {  	_ =	shalt  }
0x60: {  	_ =	shalt  }
0x61: {  	_ =	shalt  }
0x62: {  	_ =	shalt  }
0x63: {  	_ =	shalt  }
0x64: {  	_ =	shalt  }
0x65: {  	_ =	shalt  }
0x66: {  	_ =	shalt  }
0x67: {  	_ =	shalt  }
0x68: {  	_ =	shalt  }
0x69: {  	_ =	shalt  }
0x6a: {  	_ =	shalt  }
0x6b: {  	_ =	shalt  }
0x6c: {  	_ =	shalt  }
0x6d: {  	_ =	shalt  }
0x6e: {  	_ =	shalt  }
0x6f: {  	_ =	shalt  }
0x70: {  	_ =	shalt  }
0x71: {  	_ =	shalt  }
0x72: {  	_ =	shalt  }
0x73: {  	_ =	shalt  }
0x74: {  	_ =	shalt  }
0x75: {  	_ =	shalt  }
0x76: {  	_ =	shalt  }
0x77: {  	_ =	shalt  }
0x78: {  	_ =	shalt  }
0x79: {  	_ =	shalt  }
0x7a: {  	_ =	shalt  }
0x7b: {  	_ =	shalt  }
0x7c: {  	_ =	shalt  }
0x7d: {  	_ =	shalt  }
0x7e: {  	_ =	shalt  }
0x7f: {  	_ =	shalt  }
0x80: {  	_ =	shalt  }
0x81: {  	_ =	shalt  }
0x82: {  	_ =	shalt  }
0x83: {  	_ =	shalt  }
0x84: {  	_ =	shalt  }
0x85: {  	_ =	shalt  }
0x86: {  	_ =	shalt  }
0x87: {  	_ =	shalt  }
.Lfunc_end0:
.L_simem_size_0:
called_computation_lowered:
.L_overlay_start_0:
0x88: {  	s0 =	sld [smem:$0x3FD9]  }
0x89: {  	s1 =	sld [smem:$0x3FFE];
	_ =	sdelay $0x3  }
0x8a: {  	s0 =	sadd.s32 s1, s0  }
0x8b: {  	[smem:$0x3FC6] =	sst s0  }
0x8c: {  	_ = 	snop  }
0x8d: {  	s0 =	sld [smem:$0x3FC9]  }
0x8e: {  	s17 =	sld [smem:$0x3FC8]  }
0x8f: {  	s2 =	sld [smem:$0x3FD0];
	(tm) =	ssettm $0x1  }
0x90: {  	s3 =	sld [smem:$0x3FFB];
	_ =	sdelay $0x3  }
0x91: {  	_ =	strace s3  }
0x92: {  	s3 =	sld [smem:$0x3FFC];
	_ =	sdelay $0x3  }
0x93: {  	_ =	strace s3  }
0x94: {  	s3 =	sld [smem:$0x3FFD];
	_ =	sdelay $0x3  }
0x95: {  	_ =	strace s3  }
0x96: {  	_ =	strace $0x8FFFFFFF  }
0x97: {  	s18 =	sld [smem:$0x3FDB];
	_ =	sdelay $0x1  }
0x98: {  	s4 =	simm.s32 $_scs_section_size  }
0x99: {  	s5 =	simm.s32 $_size__tile_overlayer_lowered;
	s6 =	simm.s32 $_tile_overlayer_lowered  }
0x9a: {  	s21 =	simm.s32 $0x1BFF;
	s20 =	sshll.u32 s6, $0x1;
	s3 =	sadd.s32 s4, s18  }
0x9b: {  	s7 =	simm.s32 $0x0;
	s19 =	sshll.u32 s5, $0x1;
	s5 =	sadd.s32 s20, s3  }
0x9c: {  	[timem:s7], [sflag:s21] =	dma.local [hbm:s5], s19  }
0x9d: {  	_ =	swait.ge [sflag:s21], s19  }
0x9e: {  	s4 =	ssub.s32 $0x0, s19;
	[sflag:s21] =	ssyncset.done $0x0  }
0x9f: {  	[sflag:s21] =	ssyncadd.s32 s4;
	_ =	sdelay $0x1  }
0xa0: {  	s22 =	simm.s32 $0x1B8B  }
0xa1: {  	_ =	swait.ge [sflag:s22], $0x1  }
0xa2: {  	[sflag:s22] =	ssyncset.done $0x0  }
0xa3: {  	s23 =	simm.s32 $0x1B8E;
	[sflag:s22] =	ssyncadd.s32 $0xFFFFFFFF  }
0xa4: {  	s24 =	simm.s32 $execute0_lowered;
	[smem:$0x3FD2] =	sst s23  }
0xa5: {  	s4 =	sshll.u32 s24, $0x1;
	_ =	strace $0x80000046;
	[dreg:$0x1] =	wrdreg $0xFFFFFFFF  }
0xa6: {  	s25 =	simm.s32 $_size_execute0_lowered;
	s3 =	sadd.s32 s3, s4;
	[dreg:$0x0] =	wrdreg $0x0  }
0xa7: {  	s4 =	sshll.u32 s25, $0x1;
	[dreg:$0x2] =	wrdreg s3  }
0xa8: {  	[dreg:$0x3] =	wrdreg s4  }
0xa9: {  	[dreg:$0x4] =	wrdreg $0xC0  }
0xaa: {  	_ =	task [dreg:s7], $0x5FFFF  }
0xab: {  	[dreg:$0x1] =	wrdreg $0xFFFFFFFF  }
0xac: {  	[dreg:$0x0] =	wrdreg $0x60  }
0xad: {  	[dreg:$0x2] =	wrdreg s0  }
0xae: {  	[dreg:$0x3] =	wrdreg s17  }
0xaf: {  	[dreg:$0x4] =	wrdreg s2  }
0xb0: {  	[dreg:$0x5] =	wrdreg $0x9  }
0xb1: {  	_ =	task.clear_ibuf [dreg:s7], $0x6FFFF;
	_ =	strace $0x90000046  }
0xb2: {  	s26 =	simm.s32 $0x9;
	_ =	strace $0x80000048  }
0xb3: {  	_ =	swait.ge [sflag:s26], $0x1  }
0xb4: {  	[sflag:s26] =	ssyncadd.s32 $0xFFFFFFFF  }
0xb5: {  	_ =	strace $0x90000048  }
0xb6: {  	_ =	sfence  }
0xb7: {  	s28 =	sld [smem:$0x0];
	_ =	sdelay $0x1  }
0xb8: {  	s29 =	srdreg.scid  }
0xb9: {  	s30 =	sshll.u32 s29, $0xD;
	s31 =	sshrl.u32 s29, $0x2  }
0xba: {  	s1 =	sand.u32 $0x1, s29;
	s2 =	sand.u32 $0x4000, s30;
	s0 =	sadd.s32 s31, s28  }
0xbb: {  	s1 =	sor.u32 s2, s1;
	s0 =	sshll.u32 s0, $0x11  }
0xbc: {  	s0 =	sor.u32 s0, s1  }
0xbd: {  	s0 =	sadd.s32 $0x8F2B, s0  }
0xbe: {  	[sflag:s0] =	ssyncadd.remote.s32 $0x1  }
0xbf: {  	_ =	sfence.sel $0xFFFF  }
0xc0: {  	[dreg:$0x0] =	wrdreg $0xFFFFFFFF;
	(pc) =	sbr.abs _section_cstart, $3  }
0xc1: {  	[dreg:$0x1] =	wrdreg $0xFFFFFFFF  }
0xc2: {  	_ =	task.clear_ibuf [dreg:s7], $0x2FFFF;
	_ =	strace $0x9FFFFFFF  }
0xc3: {  	(tm) =	ssettm $0x7FFFFFFF  }
tec
execute0_lowered:
.L_overlay_start_1:
0x0: {  	(tag) =	ssettag $0x1  }
0x1: {  	s6 =	rddreg [dreg:$0x0]  }
0x2: {  	s4 =	rddreg [dreg:$0x1]  }
0x3: {  	s2 =	rddreg [dreg:$0x2];
	s3 =	simm.s32 $0x0  }
0x4: {  	s1 =	stileid.u32;
	[smem:$0x7FF] =	sst s3  }
0x5: {  	s0 =	rddreg [dreg:$0x3];
	s5 =	sshll.u32 s1, $0x7;
	_ =	strace $0x80000047  }
0x6: {  	[tilespmem:s3], [sflag:$0x1] =	stream.linear.gather [hbm4b:s4+s3], $0x400, $0x38;
	[tilespmem:$0xC00] =	vst v63  }
0x7: {  	s8 =	simm.s32 $0x400;
	s7 =	sadd.s32 s6, s5;
	s23 =	sor.u32 $0x40, s5  }
0x8: {  	[tilespmem:s8], [sflag:$0x2] =	stream.linear.gather [hbm4b:s7+s3], $0x200, $0x38;
	[tilespmem:$0xC00] =	vst v63  }
0x9: {  	s24 =	simm.s32 $0x600;
	s25 =	simm.s32 $0x1;
	s6 =	sadd.s32 s6, s23  }
0xa: {  	[tilespmem:s24], [sflag:$0x3] =	stream.linear.gather [hbm4b:s6+s3], $0x200, $0x38;
	[tilespmem:$0xC00] =	vst v63  }
0xb: {  	_ =	swait.ge [sflag:s25], $0x400  }
0xc: {  	[sflag:s25] =	ssyncset.done $0x0  }
0xd: {  	s26 =	simm.s32 $0x2;
	[sflag:s25] =	ssyncadd.s32 $0xFFFFFC00  }
0xe: {  	_ =	swait.ge [sflag:s26], $0x200  }
0xf: {  	[sflag:s26] =	ssyncset.done $0x0  }
0x10: {  	[sflag:s26] =	ssyncadd.s32 $0xFFFFFE00  }
0x11: {  	v0 =	vld [tilespmem:$0x400];
	_ =	sdelay $0x4  }
0x12: {  	v0 =	vmul.f32 $1.000000000e+03, v0  }
0x13: {  	v1 =	vld [tilespmem:$0x410]  }
0x14: {  	v0 =	vadd.f32 $8.388608000e+06, v0;
	_ =	sdelay $0x1  }
0x15: {  	v0 =	vadd.f32 $-8.388608000e+06, v0;
	_ =	sdelay $0x1  }
0x16: {  	v1 =	vmul.f32 $1.000000000e+03, v1;
	v0 =	vtrunc.f32 v0  }
0x17: {  	v2 =	vld [tilespmem:$0x420];
	v0 =	vcvt.f32.s32 v0  }
0x18: {  	v1 =	vadd.f32 $8.388608000e+06, v1;
	_ =	sdelay $0x1  }
0x19: {  	v1 =	vadd.f32 $-8.388608000e+06, v1;
	_ =	sdelay $0x1  }
0x1a: {  	v3 =	vld [tilespmem:$0x430];
	v2 =	vmul.f32 $1.000000000e+03, v2;
	v1 =	vtrunc.f32 v1  }
0x1b: {  	v1 =	vcvt.f32.s32 v1;
	v0 =	vld.idx.msk [tilespmem:v0+s3+$0x0], $0xffff  }
0x1c: {  	v2 =	vadd.f32 $8.388608000e+06, v2;
	_ =	sdelay $0x1  }
0x1d: {  	v2 =	vadd.f32 $-8.388608000e+06, v2;
	_ =	sdelay $0x1  }
0x1e: {  	v63 =	vld [tilespmem:$0x440];
	v62 =	vmul.f32 $1.000000000e+03, v3;
	v61 =	vtrunc.f32 v2;
	[tilespmem:$0x800] =	vst v0  }
0x1f: {  	v0 =	vld.idx.msk [tilespmem:v1+s3+$0x0], $0xffff;
	v1 =	vcvt.f32.s32 v61  }
0x20: {  	v2 =	vadd.f32 $8.388608000e+06, v62;
	_ =	sdelay $0x1  }
0x21: {  	v2 =	vadd.f32 $-8.388608000e+06, v2;
	_ =	sdelay $0x1  }
0x22: {  	v7 =	vld [tilespmem:$0x450];
	v6 =	vmul.f32 $1.000000000e+03, v63;
	v5 =	vtrunc.f32 v2;
	[tilespmem:$0x810] =	vst v0  }
0x23: {  	v0 =	vcvt.f32.s32 v5;
	v1 =	vld.idx.msk [tilespmem:v1+s3+$0x0], $0xffff  }
0x24: {  	v2 =	vadd.f32 $8.388608000e+06, v6;
	_ =	sdelay $0x1  }
0x25: {  	v2 =	vadd.f32 $-8.388608000e+06, v2;
	_ =	sdelay $0x1  }
0x26: {  	v10 =	vld [tilespmem:$0x460];
	v9 =	vmul.f32 $1.000000000e+03, v7;
	v8 =	vtrunc.f32 v2;
	[tilespmem:$0x820] =	vst v1  }
0x27: {  	v1 =	vcvt.f32.s32 v8;
	v0 =	vld.idx.msk [tilespmem:v0+s3+$0x0], $0xffff  }
0x28: {  	v2 =	vadd.f32 $8.388608000e+06, v9;
	_ =	sdelay $0x1  }
0x29: {  	v2 =	vadd.f32 $-8.388608000e+06, v2;
	_ =	sdelay $0x1  }
0x2a: {  	v13 =	vld [tilespmem:$0x470];
	v12 =	vmul.f32 $1.000000000e+03, v10;
	v11 =	vtrunc.f32 v2;
	[tilespmem:$0x830] =	vst v0  }
0x2b: {  	v0 =	vld.idx.msk [tilespmem:v1+s3+$0x0], $0xffff;
	v1 =	vcvt.f32.s32 v11  }
0x2c: {  	v2 =	vadd.f32 $8.388608000e+06, v12;
	_ =	sdelay $0x1  }
0x2d: {  	v2 =	vadd.f32 $-8.388608000e+06, v2;
	_ =	sdelay $0x1  }
0x2e: {  	v16 =	vld [tilespmem:$0x480];
	v15 =	vmul.f32 $1.000000000e+03, v13;
	v14 =	vtrunc.f32 v2;
	[tilespmem:$0x840] =	vst v0  }
0x2f: {  	v0 =	vcvt.f32.s32 v14;
	v1 =	vld.idx.msk [tilespmem:v1+s3+$0x0], $0xffff  }
0x30: {  	v2 =	vadd.f32 $8.388608000e+06, v15;
	_ =	sdelay $0x1  }
0x31: {  	v2 =	vadd.f32 $-8.388608000e+06, v2;
	_ =	sdelay $0x1  }
0x32: {  	v19 =	vld [tilespmem:$0x490];
	v18 =	vmul.f32 $1.000000000e+03, v16;
	v17 =	vtrunc.f32 v2;
	[tilespmem:$0x850] =	vst v1  }
0x33: {  	v1 =	vcvt.f32.s32 v17;
	v0 =	vld.idx.msk [tilespmem:v0+s3+$0x0], $0xffff  }
0x34: {  	v2 =	vadd.f32 $8.388608000e+06, v18;
	_ =	sdelay $0x1  }
0x35: {  	v2 =	vadd.f32 $-8.388608000e+06, v2;
	_ =	sdelay $0x1  }
0x36: {  	v22 =	vld [tilespmem:$0x4A0];
	v21 =	vmul.f32 $1.000000000e+03, v19;
	v20 =	vtrunc.f32 v2;
	[tilespmem:$0x860] =	vst v0  }
0x37: {  	v0 =	vld.idx.msk [tilespmem:v1+s3+$0x0], $0xffff;
	v1 =	vcvt.f32.s32 v20  }
0x38: {  	v2 =	vadd.f32 $8.388608000e+06, v21;
	_ =	sdelay $0x1  }
0x39: {  	v2 =	vadd.f32 $-8.388608000e+06, v2;
	_ =	sdelay $0x1  }
0x3a: {  	v25 =	vld [tilespmem:$0x4B0];
	v24 =	vmul.f32 $1.000000000e+03, v22;
	v23 =	vtrunc.f32 v2;
	[tilespmem:$0x870] =	vst v0  }
0x3b: {  	v0 =	vcvt.f32.s32 v23;
	v1 =	vld.idx.msk [tilespmem:v1+s3+$0x0], $0xffff  }
0x3c: {  	v2 =	vadd.f32 $8.388608000e+06, v24;
	_ =	sdelay $0x1  }
0x3d: {  	v2 =	vadd.f32 $-8.388608000e+06, v2;
	_ =	sdelay $0x1  }
0x3e: {  	v28 =	vld [tilespmem:$0x4C0];
	v27 =	vmul.f32 $1.000000000e+03, v25;
	v26 =	vtrunc.f32 v2;
	[tilespmem:$0x880] =	vst v1  }
0x3f: {  	v1 =	vcvt.f32.s32 v26;
	v0 =	vld.idx.msk [tilespmem:v0+s3+$0x0], $0xffff  }
0x40: {  	v2 =	vadd.f32 $8.388608000e+06, v27;
	_ =	sdelay $0x1  }
0x41: {  	v2 =	vadd.f32 $-8.388608000e+06, v2;
	_ =	sdelay $0x1  }
0x42: {  	v31 =	vld [tilespmem:$0x4D0];
	v30 =	vmul.f32 $1.000000000e+03, v28;
	v29 =	vtrunc.f32 v2;
	[tilespmem:$0x890] =	vst v0  }
0x43: {  	v0 =	vld.idx.msk [tilespmem:v1+s3+$0x0], $0xffff;
	v1 =	vcvt.f32.s32 v29  }
0x44: {  	v2 =	vadd.f32 $8.388608000e+06, v30;
	_ =	sdelay $0x1  }
0x45: {  	v2 =	vadd.f32 $-8.388608000e+06, v2;
	_ =	sdelay $0x1  }
0x46: {  	v34 =	vld [tilespmem:$0x4E0];
	v33 =	vmul.f32 $1.000000000e+03, v31;
	v32 =	vtrunc.f32 v2;
	[tilespmem:$0x8A0] =	vst v0  }
0x47: {  	v0 =	vcvt.f32.s32 v32;
	v1 =	vld.idx.msk [tilespmem:v1+s3+$0x0], $0xffff  }
0x48: {  	v2 =	vadd.f32 $8.388608000e+06, v33;
	_ =	sdelay $0x1  }
0x49: {  	v2 =	vadd.f32 $-8.388608000e+06, v2;
	_ =	sdelay $0x1  }
0x4a: {  	v37 =	vld [tilespmem:$0x4F0];
	v36 =	vmul.f32 $1.000000000e+03, v34;
	v35 =	vtrunc.f32 v2;
	[tilespmem:$0x8B0] =	vst v1  }
0x4b: {  	v1 =	vcvt.f32.s32 v35;
	v0 =	vld.idx.msk [tilespmem:v0+s3+$0x0], $0xffff  }
0x4c: {  	v2 =	vadd.f32 $8.388608000e+06, v36;
	_ =	sdelay $0x1  }
0x4d: {  	v2 =	vadd.f32 $-8.388608000e+06, v2;
	_ =	sdelay $0x1  }
0x4e: {  	v40 =	vld [tilespmem:$0x500];
	v39 =	vmul.f32 $1.000000000e+03, v37;
	v38 =	vtrunc.f32 v2;
	[tilespmem:$0x8C0] =	vst v0  }
0x4f: {  	v0 =	vld.idx.msk [tilespmem:v1+s3+$0x0], $0xffff;
	v1 =	vcvt.f32.s32 v38  }
0x50: {  	v2 =	vadd.f32 $8.388608000e+06, v39;
	_ =	sdelay $0x1  }
0x51: {  	v2 =	vadd.f32 $-8.388608000e+06, v2;
	_ =	sdelay $0x1  }
0x52: {  	v43 =	vld [tilespmem:$0x510];
	v42 =	vmul.f32 $1.000000000e+03, v40;
	v41 =	vtrunc.f32 v2;
	[tilespmem:$0x8D0] =	vst v0  }
0x53: {  	v0 =	vcvt.f32.s32 v41;
	v1 =	vld.idx.msk [tilespmem:v1+s3+$0x0], $0xffff  }
0x54: {  	v2 =	vadd.f32 $8.388608000e+06, v42;
	_ =	sdelay $0x1  }
0x55: {  	v2 =	vadd.f32 $-8.388608000e+06, v2;
	_ =	sdelay $0x1  }
0x56: {  	v46 =	vld [tilespmem:$0x520];
	v45 =	vmul.f32 $1.000000000e+03, v43;
	v44 =	vtrunc.f32 v2;
	[tilespmem:$0x8E0] =	vst v1  }
0x57: {  	v1 =	vcvt.f32.s32 v44;
	v0 =	vld.idx.msk [tilespmem:v0+s3+$0x0], $0xffff  }
0x58: {  	v2 =	vadd.f32 $8.388608000e+06, v45;
	_ =	sdelay $0x1  }
0x59: {  	v2 =	vadd.f32 $-8.388608000e+06, v2;
	_ =	sdelay $0x1  }
0x5a: {  	v49 =	vld [tilespmem:$0x530];
	v48 =	vmul.f32 $1.000000000e+03, v46;
	v47 =	vtrunc.f32 v2;
	[tilespmem:$0x8F0] =	vst v0  }
0x5b: {  	v0 =	vld.idx.msk [tilespmem:v1+s3+$0x0], $0xffff;
	v1 =	vcvt.f32.s32 v47  }
0x5c: {  	v2 =	vadd.f32 $8.388608000e+06, v48;
	_ =	sdelay $0x1  }
0x5d: {  	v2 =	vadd.f32 $-8.388608000e+06, v2;
	_ =	sdelay $0x1  }
0x5e: {  	v52 =	vld [tilespmem:$0x540];
	v51 =	vmul.f32 $1.000000000e+03, v49;
	v50 =	vtrunc.f32 v2;
	[tilespmem:$0x900] =	vst v0  }
0x5f: {  	v0 =	vcvt.f32.s32 v50;
	v1 =	vld.idx.msk [tilespmem:v1+s3+$0x0], $0xffff  }
0x60: {  	v2 =	vadd.f32 $8.388608000e+06, v51;
	_ =	sdelay $0x1  }
0x61: {  	v2 =	vadd.f32 $-8.388608000e+06, v2;
	_ =	sdelay $0x1  }
0x62: {  	v55 =	vld [tilespmem:$0x550];
	v54 =	vmul.f32 $1.000000000e+03, v52;
	v53 =	vtrunc.f32 v2;
	[tilespmem:$0x910] =	vst v1  }
0x63: {  	v1 =	vcvt.f32.s32 v53;
	v0 =	vld.idx.msk [tilespmem:v0+s3+$0x0], $0xffff  }
0x64: {  	v2 =	vadd.f32 $8.388608000e+06, v54;
	_ =	sdelay $0x1  }
0x65: {  	v2 =	vadd.f32 $-8.388608000e+06, v2;
	_ =	sdelay $0x1  }
0x66: {  	v58 =	vld [tilespmem:$0x560];
	v57 =	vmul.f32 $1.000000000e+03, v55;
	v56 =	vtrunc.f32 v2;
	[tilespmem:$0x920] =	vst v0  }
0x67: {  	v0 =	vld.idx.msk [tilespmem:v1+s3+$0x0], $0xffff;
	v1 =	vcvt.f32.s32 v56  }
0x68: {  	v2 =	vadd.f32 $8.388608000e+06, v57;
	_ =	sdelay $0x1  }
0x69: {  	v2 =	vadd.f32 $-8.388608000e+06, v2;
	_ =	sdelay $0x1  }
0x6a: {  	v60 =	vmul.f32 $1.000000000e+03, v58;
	v61 =	vld [tilespmem:$0x570];
	v59 =	vtrunc.f32 v2;
	[tilespmem:$0x930] =	vst v0  }
0x6b: {  	v0 =	vcvt.f32.s32 v59;
	v1 =	vld.idx.msk [tilespmem:v1+s3+$0x0], $0xffff  }
0x6c: {  	v2 =	vadd.f32 $8.388608000e+06, v60;
	_ =	sdelay $0x1  }
0x6d: {  	v2 =	vadd.f32 $-8.388608000e+06, v2;
	_ =	sdelay $0x1  }
0x6e: {  	v6 =	vld [tilespmem:$0x580];
	v63 =	vmul.f32 $1.000000000e+03, v61;
	v62 =	vtrunc.f32 v2;
	[tilespmem:$0x940] =	vst v1  }
0x6f: {  	v1 =	vcvt.f32.s32 v62;
	v0 =	vld.idx.msk [tilespmem:v0+s3+$0x0], $0xffff  }
0x70: {  	v2 =	vadd.f32 $8.388608000e+06, v63;
	_ =	sdelay $0x1  }
0x71: {  	v2 =	vadd.f32 $-8.388608000e+06, v2;
	_ =	sdelay $0x1  }
0x72: {  	v9 =	vld [tilespmem:$0x590];
	v8 =	vmul.f32 $1.000000000e+03, v6;
	v7 =	vtrunc.f32 v2;
	[tilespmem:$0x950] =	vst v0  }
0x73: {  	v0 =	vld.idx.msk [tilespmem:v1+s3+$0x0], $0xffff;
	v1 =	vcvt.f32.s32 v7  }
0x74: {  	v2 =	vadd.f32 $8.388608000e+06, v8;
	_ =	sdelay $0x1  }
0x75: {  	v2 =	vadd.f32 $-8.388608000e+06, v2;
	_ =	sdelay $0x1  }
0x76: {  	v12 =	vld [tilespmem:$0x5A0];
	v11 =	vmul.f32 $1.000000000e+03, v9;
	v10 =	vtrunc.f32 v2;
	[tilespmem:$0x960] =	vst v0  }
0x77: {  	v0 =	vcvt.f32.s32 v10;
	v1 =	vld.idx.msk [tilespmem:v1+s3+$0x0], $0xffff  }
0x78: {  	v2 =	vadd.f32 $8.388608000e+06, v11;
	_ =	sdelay $0x1  }
0x79: {  	v2 =	vadd.f32 $-8.388608000e+06, v2;
	_ =	sdelay $0x1  }
0x7a: {  	v15 =	vld [tilespmem:$0x5B0];
	v14 =	vmul.f32 $1.000000000e+03, v12;
	v13 =	vtrunc.f32 v2;
	[tilespmem:$0x970] =	vst v1  }
0x7b: {  	v1 =	vcvt.f32.s32 v13;
	v0 =	vld.idx.msk [tilespmem:v0+s3+$0x0], $0xffff  }
0x7c: {  	v2 =	vadd.f32 $8.388608000e+06, v14;
	_ =	sdelay $0x1  }
0x7d: {  	v2 =	vadd.f32 $-8.388608000e+06, v2;
	_ =	sdelay $0x1  }
0x7e: {  	v18 =	vld [tilespmem:$0x5C0];
	v17 =	vmul.f32 $1.000000000e+03, v15;
	v16 =	vtrunc.f32 v2;
	[tilespmem:$0x980] =	vst v0  }
0x7f: {  	v0 =	vld.idx.msk [tilespmem:v1+s3+$0x0], $0xffff;
	v1 =	vcvt.f32.s32 v16  }
0x80: {  	v2 =	vadd.f32 $8.388608000e+06, v17;
	_ =	sdelay $0x1  }
0x81: {  	v2 =	vadd.f32 $-8.388608000e+06, v2;
	_ =	sdelay $0x1  }
0x82: {  	v21 =	vld [tilespmem:$0x5D0];
	v20 =	vmul.f32 $1.000000000e+03, v18;
	v19 =	vtrunc.f32 v2;
	[tilespmem:$0x990] =	vst v0  }
0x83: {  	v0 =	vcvt.f32.s32 v19;
	v1 =	vld.idx.msk [tilespmem:v1+s3+$0x0], $0xffff  }
0x84: {  	v2 =	vadd.f32 $8.388608000e+06, v20;
	_ =	sdelay $0x1  }
0x85: {  	v2 =	vadd.f32 $-8.388608000e+06, v2;
	_ =	sdelay $0x1  }
0x86: {  	v24 =	vld [tilespmem:$0x5E0];
	v23 =	vmul.f32 $1.000000000e+03, v21;
	v22 =	vtrunc.f32 v2;
	[tilespmem:$0x9A0] =	vst v1  }
0x87: {  	v1 =	vcvt.f32.s32 v22;
	v0 =	vld.idx.msk [tilespmem:v0+s3+$0x0], $0xffff  }
0x88: {  	v2 =	vadd.f32 $8.388608000e+06, v23;
	_ =	sdelay $0x1  }
0x89: {  	v2 =	vadd.f32 $-8.388608000e+06, v2;
	_ =	sdelay $0x1  }
0x8a: {  	v27 =	vld [tilespmem:$0x5F0];
	v26 =	vmul.f32 $1.000000000e+03, v24;
	v25 =	vtrunc.f32 v2;
	[tilespmem:$0x9B0] =	vst v0  }
0x8b: {  	v0 =	vld.idx.msk [tilespmem:v1+s3+$0x0], $0xffff;
	v1 =	vcvt.f32.s32 v25  }
0x8c: {  	v2 =	vadd.f32 $8.388608000e+06, v26;
	_ =	sdelay $0x1  }
0x8d: {  	v2 =	vadd.f32 $-8.388608000e+06, v2;
	_ =	sdelay $0x1  }
0x8e: {  	v29 =	vmul.f32 $1.000000000e+03, v27;
	v28 =	vtrunc.f32 v2;
	[tilespmem:$0x9C0] =	vst v0  }
0x8f: {  	v0 =	vcvt.f32.s32 v28;
	v1 =	vld.idx.msk [tilespmem:v1+s3+$0x0], $0xffff  }
0x90: {  	v2 =	vadd.f32 $8.388608000e+06, v29;
	_ =	sdelay $0x1  }
0x91: {  	v2 =	vadd.f32 $-8.388608000e+06, v2;
	_ =	sdelay $0x1  }
0x92: {  	v30 =	vtrunc.f32 v2;
	[tilespmem:$0x9D0] =	vst v1  }
0x93: {  	v1 =	vcvt.f32.s32 v30;
	v0 =	vld.idx.msk [tilespmem:v0+s3+$0x0], $0xffff;
	_ =	sdelay $0x4  }
0x94: {  	[tilespmem:$0x9E0] =	vst v0  }
0x95: {  	v0 =	vld.idx.msk [tilespmem:v1+s3+$0x0], $0xffff;
	_ =	sdelay $0x4  }
0x96: {  	s28 =	simm.s32 $0x800;
	s29 =	simm.s32 $0x3;
	s5 =	sadd.s32 s2, s5;
	[tilespmem:$0x9F0] =	vst v0  }
0x97: {  	[hbm4b:s5+s3] =	stream.linear.scatter [tilespmem:s28], [sflag:$0x4], $0x200, $0x38;
	[tilespmem:$0xC00] =	vst v63  }
0x98: {  	_ =	swait.ge [sflag:s29], $0x200  }
0x99: {  	[sflag:s29] =	ssyncset.done $0x0  }
0x9a: {  	[sflag:s29] =	ssyncadd.s32 $0xFFFFFE00  }
0x9b: {  	v31 =	vld [tilespmem:$0x600];
	_ =	sdelay $0x4  }
0x9c: {  	v0 =	vmul.f32 $1.000000000e+03, v31  }
0x9d: {  	v32 =	vld [tilespmem:$0x610]  }
0x9e: {  	v0 =	vadd.f32 $8.388608000e+06, v0;
	_ =	sdelay $0x1  }
0x9f: {  	v0 =	vadd.f32 $-8.388608000e+06, v0;
	_ =	sdelay $0x1  }
0xa0: {  	v1 =	vmul.f32 $1.000000000e+03, v32;
	v0 =	vtrunc.f32 v0  }
0xa1: {  	v33 =	vld [tilespmem:$0x620];
	v0 =	vcvt.f32.s32 v0  }
0xa2: {  	v1 =	vadd.f32 $8.388608000e+06, v1;
	_ =	sdelay $0x1  }
0xa3: {  	v1 =	vadd.f32 $-8.388608000e+06, v1;
	_ =	sdelay $0x1  }
0xa4: {  	v34 =	vld [tilespmem:$0x630];
	v2 =	vmul.f32 $1.000000000e+03, v33;
	v1 =	vtrunc.f32 v1  }
0xa5: {  	v1 =	vcvt.f32.s32 v1;
	v0 =	vld.idx.msk [tilespmem:v0+s3+$0x0], $0xffff  }
0xa6: {  	v2 =	vadd.f32 $8.388608000e+06, v2;
	_ =	sdelay $0x1  }
0xa7: {  	v2 =	vadd.f32 $-8.388608000e+06, v2;
	_ =	sdelay $0x1  }
0xa8: {  	v37 =	vld [tilespmem:$0x640];
	v36 =	vmul.f32 $1.000000000e+03, v34;
	v35 =	vtrunc.f32 v2;
	[tilespmem:$0xA00] =	vst v0  }
0xa9: {  	v0 =	vld.idx.msk [tilespmem:v1+s3+$0x0], $0xffff;
	v1 =	vcvt.f32.s32 v35  }
0xaa: {  	v2 =	vadd.f32 $8.388608000e+06, v36;
	_ =	sdelay $0x1  }
0xab: {  	v2 =	vadd.f32 $-8.388608000e+06, v2;
	_ =	sdelay $0x1  }
0xac: {  	v40 =	vld [tilespmem:$0x650];
	v39 =	vmul.f32 $1.000000000e+03, v37;
	v38 =	vtrunc.f32 v2;
	[tilespmem:$0xA10] =	vst v0  }
0xad: {  	v0 =	vcvt.f32.s32 v38;
	v1 =	vld.idx.msk [tilespmem:v1+s3+$0x0], $0xffff  }
0xae: {  	v2 =	vadd.f32 $8.388608000e+06, v39;
	_ =	sdelay $0x1  }
0xaf: {  	v2 =	vadd.f32 $-8.388608000e+06, v2;
	_ =	sdelay $0x1  }
0xb0: {  	v43 =	vld [tilespmem:$0x660];
	v42 =	vmul.f32 $1.000000000e+03, v40;
	v41 =	vtrunc.f32 v2;
	[tilespmem:$0xA20] =	vst v1  }
0xb1: {  	v1 =	vcvt.f32.s32 v41;
	v0 =	vld.idx.msk [tilespmem:v0+s3+$0x0], $0xffff  }
0xb2: {  	v2 =	vadd.f32 $8.388608000e+06, v42;
	_ =	sdelay $0x1  }
0xb3: {  	v2 =	vadd.f32 $-8.388608000e+06, v2;
	_ =	sdelay $0x1  }
0xb4: {  	v46 =	vld [tilespmem:$0x670];
	v45 =	vmul.f32 $1.000000000e+03, v43;
	v44 =	vtrunc.f32 v2;
	[tilespmem:$0xA30] =	vst v0  }
0xb5: {  	v0 =	vld.idx.msk [tilespmem:v1+s3+$0x0], $0xffff;
	v1 =	vcvt.f32.s32 v44  }
0xb6: {  	v2 =	vadd.f32 $8.388608000e+06, v45;
	_ =	sdelay $0x1  }
0xb7: {  	v2 =	vadd.f32 $-8.388608000e+06, v2;
	_ =	sdelay $0x1  }
0xb8: {  	v49 =	vld [tilespmem:$0x680];
	v48 =	vmul.f32 $1.000000000e+03, v46;
	v47 =	vtrunc.f32 v2;
	[tilespmem:$0xA40] =	vst v0  }
0xb9: {  	v0 =	vcvt.f32.s32 v47;
	v1 =	vld.idx.msk [tilespmem:v1+s3+$0x0], $0xffff  }
0xba: {  	v2 =	vadd.f32 $8.388608000e+06, v48;
	_ =	sdelay $0x1  }
0xbb: {  	v2 =	vadd.f32 $-8.388608000e+06, v2;
	_ =	sdelay $0x1  }
0xbc: {  	v52 =	vld [tilespmem:$0x690];
	v51 =	vmul.f32 $1.000000000e+03, v49;
	v50 =	vtrunc.f32 v2;
	[tilespmem:$0xA50] =	vst v1  }
0xbd: {  	v1 =	vcvt.f32.s32 v50;
	v0 =	vld.idx.msk [tilespmem:v0+s3+$0x0], $0xffff  }
0xbe: {  	v2 =	vadd.f32 $8.388608000e+06, v51;
	_ =	sdelay $0x1  }
0xbf: {  	v2 =	vadd.f32 $-8.388608000e+06, v2;
	_ =	sdelay $0x1  }
0xc0: {  	v55 =	vld [tilespmem:$0x6A0];
	v54 =	vmul.f32 $1.000000000e+03, v52;
	v53 =	vtrunc.f32 v2;
	[tilespmem:$0xA60] =	vst v0  }
0xc1: {  	v0 =	vld.idx.msk [tilespmem:v1+s3+$0x0], $0xffff;
	v1 =	vcvt.f32.s32 v53  }
0xc2: {  	v2 =	vadd.f32 $8.388608000e+06, v54;
	_ =	sdelay $0x1  }
0xc3: {  	v2 =	vadd.f32 $-8.388608000e+06, v2;
	_ =	sdelay $0x1  }
0xc4: {  	v58 =	vld [tilespmem:$0x6B0];
	v57 =	vmul.f32 $1.000000000e+03, v55;
	v56 =	vtrunc.f32 v2;
	[tilespmem:$0xA70] =	vst v0  }
0xc5: {  	v0 =	vcvt.f32.s32 v56;
	v1 =	vld.idx.msk [tilespmem:v1+s3+$0x0], $0xffff  }
0xc6: {  	v2 =	vadd.f32 $8.388608000e+06, v57;
	_ =	sdelay $0x1  }
0xc7: {  	v2 =	vadd.f32 $-8.388608000e+06, v2;
	_ =	sdelay $0x1  }
0xc8: {  	v61 =	vld [tilespmem:$0x6C0];
	v60 =	vmul.f32 $1.000000000e+03, v58;
	v59 =	vtrunc.f32 v2;
	[tilespmem:$0xA80] =	vst v1  }
0xc9: {  	v1 =	vcvt.f32.s32 v59;
	v0 =	vld.idx.msk [tilespmem:v0+s3+$0x0], $0xffff  }
0xca: {  	v2 =	vadd.f32 $8.388608000e+06, v60;
	_ =	sdelay $0x1  }
0xcb: {  	v2 =	vadd.f32 $-8.388608000e+06, v2;
	_ =	sdelay $0x1  }
0xcc: {  	v6 =	vld [tilespmem:$0x6D0];
	v63 =	vmul.f32 $1.000000000e+03, v61;
	v62 =	vtrunc.f32 v2;
	[tilespmem:$0xA90] =	vst v0  }
0xcd: {  	v0 =	vld.idx.msk [tilespmem:v1+s3+$0x0], $0xffff;
	v1 =	vcvt.f32.s32 v62  }
0xce: {  	v2 =	vadd.f32 $8.388608000e+06, v63;
	_ =	sdelay $0x1  }
0xcf: {  	v2 =	vadd.f32 $-8.388608000e+06, v2;
	_ =	sdelay $0x1  }
0xd0: {  	v9 =	vld [tilespmem:$0x6E0];
	v8 =	vmul.f32 $1.000000000e+03, v6;
	v7 =	vtrunc.f32 v2;
	[tilespmem:$0xAA0] =	vst v0  }
0xd1: {  	v0 =	vcvt.f32.s32 v7;
	v1 =	vld.idx.msk [tilespmem:v1+s3+$0x0], $0xffff  }
0xd2: {  	v2 =	vadd.f32 $8.388608000e+06, v8;
	_ =	sdelay $0x1  }
0xd3: {  	v2 =	vadd.f32 $-8.388608000e+06, v2;
	_ =	sdelay $0x1  }
0xd4: {  	v12 =	vld [tilespmem:$0x6F0];
	v11 =	vmul.f32 $1.000000000e+03, v9;
	v10 =	vtrunc.f32 v2;
	[tilespmem:$0xAB0] =	vst v1  }
0xd5: {  	v1 =	vcvt.f32.s32 v10;
	v0 =	vld.idx.msk [tilespmem:v0+s3+$0x0], $0xffff  }
0xd6: {  	v2 =	vadd.f32 $8.388608000e+06, v11;
	_ =	sdelay $0x1  }
0xd7: {  	v2 =	vadd.f32 $-8.388608000e+06, v2;
	_ =	sdelay $0x1  }
0xd8: {  	v15 =	vld [tilespmem:$0x700];
	v14 =	vmul.f32 $1.000000000e+03, v12;
	v13 =	vtrunc.f32 v2;
	[tilespmem:$0xAC0] =	vst v0  }
0xd9: {  	v0 =	vld.idx.msk [tilespmem:v1+s3+$0x0], $0xffff;
	v1 =	vcvt.f32.s32 v13  }
0xda: {  	v2 =	vadd.f32 $8.388608000e+06, v14;
	_ =	sdelay $0x1  }
0xdb: {  	v2 =	vadd.f32 $-8.388608000e+06, v2;
	_ =	sdelay $0x1  }
0xdc: {  	v18 =	vld [tilespmem:$0x710];
	v17 =	vmul.f32 $1.000000000e+03, v15;
	v16 =	vtrunc.f32 v2;
	[tilespmem:$0xAD0] =	vst v0  }
0xdd: {  	v0 =	vcvt.f32.s32 v16;
	v1 =	vld.idx.msk [tilespmem:v1+s3+$0x0], $0xffff  }
0xde: {  	v2 =	vadd.f32 $8.388608000e+06, v17;
	_ =	sdelay $0x1  }
0xdf: {  	v2 =	vadd.f32 $-8.388608000e+06, v2;
	_ =	sdelay $0x1  }
0xe0: {  	v21 =	vld [tilespmem:$0x720];
	v20 =	vmul.f32 $1.000000000e+03, v18;
	v19 =	vtrunc.f32 v2;
	[tilespmem:$0xAE0] =	vst v1  }
0xe1: {  	v1 =	vcvt.f32.s32 v19;
	v0 =	vld.idx.msk [tilespmem:v0+s3+$0x0], $0xffff  }
0xe2: {  	v2 =	vadd.f32 $8.388608000e+06, v20;
	_ =	sdelay $0x1  }
0xe3: {  	v2 =	vadd.f32 $-8.388608000e+06, v2;
	_ =	sdelay $0x1  }
0xe4: {  	v24 =	vld [tilespmem:$0x730];
	v23 =	vmul.f32 $1.000000000e+03, v21;
	v22 =	vtrunc.f32 v2;
	[tilespmem:$0xAF0] =	vst v0  }
0xe5: {  	v0 =	vld.idx.msk [tilespmem:v1+s3+$0x0], $0xffff;
	v1 =	vcvt.f32.s32 v22  }
0xe6: {  	v2 =	vadd.f32 $8.388608000e+06, v23;
	_ =	sdelay $0x1  }
0xe7: {  	v2 =	vadd.f32 $-8.388608000e+06, v2;
	_ =	sdelay $0x1  }
0xe8: {  	v27 =	vld [tilespmem:$0x740];
	v26 =	vmul.f32 $1.000000000e+03, v24;
	v25 =	vtrunc.f32 v2;
	[tilespmem:$0xB00] =	vst v0  }
0xe9: {  	v0 =	vcvt.f32.s32 v25;
	v1 =	vld.idx.msk [tilespmem:v1+s3+$0x0], $0xffff  }
0xea: {  	v2 =	vadd.f32 $8.388608000e+06, v26;
	_ =	sdelay $0x1  }
0xeb: {  	v2 =	vadd.f32 $-8.388608000e+06, v2;
	_ =	sdelay $0x1  }
0xec: {  	v30 =	vld [tilespmem:$0x750];
	v29 =	vmul.f32 $1.000000000e+03, v27;
	v28 =	vtrunc.f32 v2;
	[tilespmem:$0xB10] =	vst v1  }
0xed: {  	v1 =	vcvt.f32.s32 v28;
	v0 =	vld.idx.msk [tilespmem:v0+s3+$0x0], $0xffff  }
0xee: {  	v2 =	vadd.f32 $8.388608000e+06, v29;
	_ =	sdelay $0x1  }
0xef: {  	v2 =	vadd.f32 $-8.388608000e+06, v2;
	_ =	sdelay $0x1  }
0xf0: {  	v32 =	vmul.f32 $1.000000000e+03, v30;
	v33 =	vld [tilespmem:$0x760];
	v31 =	vtrunc.f32 v2;
	[tilespmem:$0xB20] =	vst v0  }
0xf1: {  	v0 =	vld.idx.msk [tilespmem:v1+s3+$0x0], $0xffff;
	v1 =	vcvt.f32.s32 v31  }
0xf2: {  	v2 =	vadd.f32 $8.388608000e+06, v32;
	_ =	sdelay $0x1  }
0xf3: {  	v2 =	vadd.f32 $-8.388608000e+06, v2;
	_ =	sdelay $0x1  }
0xf4: {  	v36 =	vld [tilespmem:$0x770];
	v35 =	vmul.f32 $1.000000000e+03, v33;
	v34 =	vtrunc.f32 v2;
	[tilespmem:$0xB30] =	vst v0  }
0xf5: {  	v0 =	vcvt.f32.s32 v34;
	v1 =	vld.idx.msk [tilespmem:v1+s3+$0x0], $0xffff  }
0xf6: {  	v2 =	vadd.f32 $8.388608000e+06, v35;
	_ =	sdelay $0x1  }
0xf7: {  	v2 =	vadd.f32 $-8.388608000e+06, v2;
	_ =	sdelay $0x1  }
0xf8: {  	v39 =	vld [tilespmem:$0x780];
	v38 =	vmul.f32 $1.000000000e+03, v36;
	v37 =	vtrunc.f32 v2;
	[tilespmem:$0xB40] =	vst v1  }
0xf9: {  	v1 =	vcvt.f32.s32 v37;
	v0 =	vld.idx.msk [tilespmem:v0+s3+$0x0], $0xffff  }
0xfa: {  	v2 =	vadd.f32 $8.388608000e+06, v38;
	_ =	sdelay $0x1  }
0xfb: {  	v2 =	vadd.f32 $-8.388608000e+06, v2;
	_ =	sdelay $0x1  }
0xfc: {  	v42 =	vld [tilespmem:$0x790];
	v41 =	vmul.f32 $1.000000000e+03, v39;
	v40 =	vtrunc.f32 v2;
	[tilespmem:$0xB50] =	vst v0  }
0xfd: {  	v0 =	vld.idx.msk [tilespmem:v1+s3+$0x0], $0xffff;
	v1 =	vcvt.f32.s32 v40  }
0xfe: {  	v2 =	vadd.f32 $8.388608000e+06, v41;
	_ =	sdelay $0x1  }
0xff: {  	v2 =	vadd.f32 $-8.388608000e+06, v2;
	_ =	sdelay $0x1  }
0x100: {  	v45 =	vld [tilespmem:$0x7A0];
	v44 =	vmul.f32 $1.000000000e+03, v42;
	v43 =	vtrunc.f32 v2;
	[tilespmem:$0xB60] =	vst v0  }
0x101: {  	v0 =	vcvt.f32.s32 v43;
	v1 =	vld.idx.msk [tilespmem:v1+s3+$0x0], $0xffff  }
0x102: {  	v2 =	vadd.f32 $8.388608000e+06, v44;
	_ =	sdelay $0x1  }
0x103: {  	v2 =	vadd.f32 $-8.388608000e+06, v2;
	_ =	sdelay $0x1  }
0x104: {  	v48 =	vld [tilespmem:$0x7B0];
	v47 =	vmul.f32 $1.000000000e+03, v45;
	v46 =	vtrunc.f32 v2;
	[tilespmem:$0xB70] =	vst v1  }
0x105: {  	v1 =	vcvt.f32.s32 v46;
	v0 =	vld.idx.msk [tilespmem:v0+s3+$0x0], $0xffff  }
0x106: {  	v2 =	vadd.f32 $8.388608000e+06, v47;
	_ =	sdelay $0x1  }
0x107: {  	v2 =	vadd.f32 $-8.388608000e+06, v2;
	_ =	sdelay $0x1  }
0x108: {  	v51 =	vld [tilespmem:$0x7C0];
	v50 =	vmul.f32 $1.000000000e+03, v48;
	v49 =	vtrunc.f32 v2;
	[tilespmem:$0xB80] =	vst v0  }
0x109: {  	v0 =	vld.idx.msk [tilespmem:v1+s3+$0x0], $0xffff;
	v1 =	vcvt.f32.s32 v49  }
0x10a: {  	v2 =	vadd.f32 $8.388608000e+06, v50;
	_ =	sdelay $0x1  }
0x10b: {  	v2 =	vadd.f32 $-8.388608000e+06, v2;
	_ =	sdelay $0x1  }
0x10c: {  	v54 =	vld [tilespmem:$0x7D0];
	v53 =	vmul.f32 $1.000000000e+03, v51;
	v52 =	vtrunc.f32 v2;
	[tilespmem:$0xB90] =	vst v0  }
0x10d: {  	v0 =	vcvt.f32.s32 v52;
	v1 =	vld.idx.msk [tilespmem:v1+s3+$0x0], $0xffff  }
0x10e: {  	v2 =	vadd.f32 $8.388608000e+06, v53;
	_ =	sdelay $0x1  }
0x10f: {  	v2 =	vadd.f32 $-8.388608000e+06, v2;
	_ =	sdelay $0x1  }
0x110: {  	v57 =	vld [tilespmem:$0x7E0];
	v56 =	vmul.f32 $1.000000000e+03, v54;
	v55 =	vtrunc.f32 v2;
	[tilespmem:$0xBA0] =	vst v1  }
0x111: {  	v1 =	vcvt.f32.s32 v55;
	v0 =	vld.idx.msk [tilespmem:v0+s3+$0x0], $0xffff  }
0x112: {  	v2 =	vadd.f32 $8.388608000e+06, v56;
	_ =	sdelay $0x1  }
0x113: {  	v2 =	vadd.f32 $-8.388608000e+06, v2;
	_ =	sdelay $0x1  }
0x114: {  	v60 =	vld [tilespmem:$0x7F0];
	v59 =	vmul.f32 $1.000000000e+03, v57;
	v58 =	vtrunc.f32 v2;
	[tilespmem:$0xBB0] =	vst v0  }
0x115: {  	v0 =	vld.idx.msk [tilespmem:v1+s3+$0x0], $0xffff;
	v1 =	vcvt.f32.s32 v58  }
0x116: {  	v2 =	vadd.f32 $8.388608000e+06, v59;
	_ =	sdelay $0x1  }
0x117: {  	v2 =	vadd.f32 $-8.388608000e+06, v2;
	_ =	sdelay $0x1  }
0x118: {  	v62 =	vmul.f32 $1.000000000e+03, v60;
	v61 =	vtrunc.f32 v2;
	[tilespmem:$0xBC0] =	vst v0  }
0x119: {  	v0 =	vcvt.f32.s32 v61;
	v1 =	vld.idx.msk [tilespmem:v1+s3+$0x0], $0xffff  }
0x11a: {  	v2 =	vadd.f32 $8.388608000e+06, v62;
	_ =	sdelay $0x1  }
0x11b: {  	v2 =	vadd.f32 $-8.388608000e+06, v2;
	_ =	sdelay $0x1  }
0x11c: {  	v63 =	vtrunc.f32 v2;
	[tilespmem:$0xBD0] =	vst v1  }
0x11d: {  	v1 =	vcvt.f32.s32 v63;
	v0 =	vld.idx.msk [tilespmem:v0+s3+$0x0], $0xffff;
	_ =	sdelay $0x4  }
0x11e: {  	[tilespmem:$0xBE0] =	vst v0  }
0x11f: {  	v0 =	vld.idx.msk [tilespmem:v1+s3+$0x0], $0xffff;
	_ =	sdelay $0x4  }
0x120: {  	s30 =	simm.s32 $0xA00;
	s31 =	simm.s32 $0x4;
	s2 =	sadd.s32 s2, s23;
	[tilespmem:$0xBF0] =	vst v0  }
0x121: {  	[hbm4b:s2+s3] =	stream.linear.scatter [tilespmem:s30], [sflag:$0x4], $0x200, $0x38;
	[tilespmem:$0xC00] =	vst v63  }
0x122: {  	_ =	swait.ge [sflag:s31], $0x200  }
0x123: {  	[sflag:s31] =	ssyncset.done $0x0  }
0x124: {  	[sflag:s31] =	ssyncadd.s32 $0xFFFFFE00  }
0x125: {  	_ =	swait.ge [sflag:s31], $0x200  }
0x126: {  	[sflag:s31] =	ssyncset.done $0x0  }
0x127: {  	[sflag:s31] =	ssyncadd.s32 $0xFFFFFE00  }
0x128: {  	_ =	sfence.sel $0x180000  }
0x129: {  	[bflag:$0x0] =	sbarrier.arrive $0xFFFF  }
0x12a: {  	p0 =	sne.s32 s1, $0x0;
	_ =	strace $0x90000047  }
0x12b: {  	s0 =	sadd.s32 @!p0 $0x100000, s0;
	[bflag:$0x2] =	sbarrier.arrive $0xFFFF  }
0x12c: {  	[sflag:s0] =	ssyncadd.tile.s32 @!p0 $0x1;
	_ =	shalt  }
.Lfunc_end2:
_tile_overlayer_lowered:
.L_overlay_start_2:
0x12d: {  	(tag) =	ssettag $0x2  }
0x12e: {  	s0 =	rddreg [dreg:$0x0];
	s2 =	stileid.u32  }
0x12f: {  	s1 =	rddreg [dreg:$0x1];
	p0 =	sne.s32 s2, $0x0  }
0x130: {  	s3 =	rddreg [dreg:$0x2];
	[bflag:$0x3] =	sbarrier.arrive $0xFFFF;
	s2 =	simm.s32 @!p0 $0x1C05  }
0x131: {  	[timem:s3], [sflag:s2] =	dma.local @!p0 [hbm:s0], s1  }
0x132: {  	s0 =	simm.s32 @!p0 $0x5  }
0x133: {  	_ =	swait.ge @!p0 [sflag:s0], s1  }
0x134: {  	s1 =	ssub.s32 @!p0 $0x0, s1;
	[sflag:s0] =	ssyncset.done @!p0 $0x0  }
0x135: {  	[sflag:s0] =	ssyncadd.s32 @!p0 s1  }
0x136: {  	[bflag:$0x3] =	sbarrier.arrive $0xFFFF  }
0x137: {  	_ =	shalt  }

</sc_bundles>
